<compile_context>
chip_gen: v7x
topology: tpu7x:2x2x1
jax: 0.10.2.dev20260603
libtpu: 0.0.44.dev20260713+nightly
codegen_flags: <defaults>
</compile_context>

<pallas_src>
import functools

import jax
import jax.numpy as jnp
from jax import lax
from jax.experimental import pallas as pl
from jax.experimental.pallas import tpu as pltpu
from jax.experimental.pallas import tpu_sc as plsc

NUM_EMBEDDINGS = 1024
EMBEDDING_DIM = 64
COMMITMENT_COST = 0.25
TILE = 2048

NC, NS = 2, 16
NW = NC * NS
CHT = 432


def _pass_a(x_ref, w_ref, x2_ref, w2_ref, idx_ref, loss_ref, loss_acc,
            *, n_tok, n_steps):
    i = pl.program_id(0)

    @pl.when(i == 0)
    def _():
        loss_acc[0, 0] = 0.0

    mm = lax.dot_general(x_ref[...], w_ref[...], (((1,), (1,)), ((), ())),
                         preferred_element_type=jnp.float32)
    d = (x2_ref[...] + w2_ref[...]) - 2.0 * mm
    dmin = jnp.min(d, axis=1, keepdims=True)
    iota = lax.broadcasted_iota(jnp.int32, (TILE, NUM_EMBEDDINGS), 1)
    idx = jnp.min(jnp.where(d == dmin, iota, NUM_EMBEDDINGS), axis=1)
    idx_ref[...] = idx[:, None]
    loss_acc[0, 0] += jnp.sum(dmin)

    @pl.when(i == n_steps - 1)
    def _():
        loss_ref[...] = jnp.full(
            (1, 1),
            (1.0 + COMMITMENT_COST) * loss_acc[0, 0]
            / (n_tok * EMBEDDING_DIM))


def _pass_b(idx_ref, enc_ref, ppl_ref, cnt_acc, *, n_tok, n_steps):
    i = pl.program_id(0)

    @pl.when(i == 0)
    def _():
        cnt_acc[...] = jnp.zeros_like(cnt_acc)

    iota = lax.broadcasted_iota(jnp.int32, (TILE, NUM_EMBEDDINGS), 1)
    onehot = (iota == idx_ref[...]).astype(jnp.float32)
    enc_ref[...] = onehot
    cnt_acc[...] += jnp.sum(onehot, axis=0, keepdims=True)

    @pl.when(i == n_steps - 1)
    def _():
        avg = cnt_acc[...] * (1.0 / n_tok)
        ppl_ref[...] = jnp.exp(
            -jnp.sum(avg * jnp.log(avg + 1e-10), keepdims=True))


def _make_sq(n_tok):
    b_w = n_tok // NW
    n_ch = b_w // CHT
    mesh = plsc.VectorSubcoreMesh(core_axis_name="c", subcore_axis_name="s")

    @functools.partial(
        pl.kernel, mesh=mesh,
        out_type=jax.ShapeDtypeStruct((n_tok, 128), jnp.float32),
        scratch_types=[pltpu.VMEM((b_w,), jnp.int32),
                       pltpu.VMEM((CHT, 128), jnp.float32),
                       pltpu.VMEM((CHT, 128), jnp.float32),
                       pltpu.SemaphoreType.DMA,
                       pltpu.SemaphoreType.DMA])
    def sq(idx3_hbm, wpad_hbm, qpad_hbm, idx_v, buf0, buf1, sem0, sem1):
        wid = lax.axis_index("s") * NC + lax.axis_index("c")
        base = wid * b_w
        pltpu.sync_copy(idx3_hbm.at[wid], idx_v)
        bufs = (buf0, buf1)
        sems = (sem0, sem1)
        g = [None] * n_ch
        for c in range(n_ch):
            b = c % 2
            if c >= 2:
                g[c - 2].wait()
                pltpu.sync_copy(bufs[b], qpad_hbm.at[
                    pl.ds(base + (c - 2) * CHT, CHT)])
            g[c] = pltpu.async_copy(
                wpad_hbm.at[idx_v.at[pl.ds(c * CHT, CHT)]], bufs[b], sems[b])
        for c in (n_ch - 2, n_ch - 1):
            g[c].wait()
            pltpu.sync_copy(bufs[c % 2], qpad_hbm.at[
                pl.ds(base + c * CHT, CHT)])

    return sq


@jax.jit
def kernel(inputs, weight):
    bs, seq_len, feat = inputs.shape
    flat = inputs.reshape(-1, EMBEDDING_DIM)
    n_tok = flat.shape[0]
    n_steps = n_tok // TILE
    x2 = jnp.sum(flat ** 2, axis=1, keepdims=True)
    w2 = jnp.sum(weight ** 2, axis=1)[None, :]

    idx, loss = pl.pallas_call(
        functools.partial(_pass_a, n_tok=n_tok, n_steps=n_steps),
        grid=(n_steps,),
        in_specs=[
            pl.BlockSpec((TILE, EMBEDDING_DIM), lambda i: (i, 0)),
            pl.BlockSpec((NUM_EMBEDDINGS, EMBEDDING_DIM), lambda i: (0, 0)),
            pl.BlockSpec((TILE, 1), lambda i: (i, 0)),
            pl.BlockSpec((1, NUM_EMBEDDINGS), lambda i: (0, 0)),
        ],
        out_specs=[
            pl.BlockSpec((TILE, 1), lambda i: (i, 0)),
            pl.BlockSpec((1, 1), lambda i: (0, 0)),
        ],
        out_shape=[
            jax.ShapeDtypeStruct((n_tok, 1), jnp.int32),
            jax.ShapeDtypeStruct((1, 1), jnp.float32),
        ],
        scratch_shapes=[pltpu.SMEM((1, 1), jnp.float32)],
    )(flat, weight, x2, w2)

    wpad = jnp.pad(weight, ((0, 0), (0, 128 - EMBEDDING_DIM)))
    qpad = _make_sq(n_tok)(idx[:, 0].reshape(NW, n_tok // NW), wpad)

    enc, ppl = pl.pallas_call(
        functools.partial(_pass_b, n_tok=n_tok, n_steps=n_steps),
        grid=(n_steps,),
        in_specs=[pl.BlockSpec((TILE, 1), lambda i: (i, 0))],
        out_specs=[
            pl.BlockSpec((TILE, NUM_EMBEDDINGS), lambda i: (i, 0)),
            pl.BlockSpec((1, 1), lambda i: (0, 0)),
        ],
        out_shape=[
            jax.ShapeDtypeStruct((n_tok, NUM_EMBEDDINGS), jnp.float32),
            jax.ShapeDtypeStruct((1, 1), jnp.float32),
        ],
        scratch_shapes=[pltpu.VMEM((1, NUM_EMBEDDINGS), jnp.float32)],
    )(idx)

    q = qpad[:, :EMBEDDING_DIM]
    return (loss[0, 0], q.reshape(bs, seq_len, feat), ppl[0, 0], enc, idx)

# --- scband reference (transcript-rebuilt; emitter-appended) ---
"""Pipeline reference for scband-vector-quantizer-18116172054712 (READ-ONLY COPY).

The authoritative reference and input builder live on the scoring server;
editing this copy changes nothing except your own understanding.
"""

import jax, jax.numpy as jnp
import numpy as np

NUM_EMBEDDINGS = 1024
EMBEDDING_DIM = 64
COMMITMENT_COST = 0.25


def setup_inputs(seed: int = 0) -> dict:
    key = jax.random.key(seed)
    k1, k2 = jax.random.split(key)
    inputs = jax.random.normal(k1, (16, 576, 384), dtype=jnp.float32)
    # nn.Embedding weight initialized uniform(-1/K, 1/K)
    weight = jax.random.uniform(
        k2, (NUM_EMBEDDINGS, EMBEDDING_DIM), dtype=jnp.float32,
        minval=-1.0 / NUM_EMBEDDINGS, maxval=1.0 / NUM_EMBEDDINGS)
    return {"inputs": inputs, "weight": weight}


def reference(inputs, weight):
    bs = inputs.shape[0]
    seq_len = inputs.shape[1]
    dtype = inputs.dtype
    x = inputs.reshape(bs, seq_len, -1, EMBEDDING_DIM)
    input_shape = x.shape
    flat_input = x.reshape(-1, EMBEDDING_DIM)
    distances = (jnp.sum(flat_input ** 2, axis=1, keepdims=True)
                 + jnp.sum(weight ** 2, axis=1)
                 - 2.0 * jnp.matmul(flat_input, weight.T))
    encoding_indices = jnp.argmin(distances, axis=1)[:, None]
    # scatter one-hot encodings (scatter-overwrite of 1s)
    encodings = jnp.zeros((encoding_indices.shape[0], NUM_EMBEDDINGS), dtype=dtype)
    encodings = encodings.at[jnp.arange(encoding_indices.shape[0]), encoding_indices[:, 0]].set(1.0)
    quantized = jnp.matmul(encodings, weight).reshape(input_shape)
    e_latent_loss = jnp.mean((jax.lax.stop_gradient(quantized) - x) ** 2)
    q_latent_loss = jnp.mean((quantized - jax.lax.stop_gradient(x)) ** 2)
    loss = q_latent_loss + COMMITMENT_COST * e_latent_loss
    quantized_st = x + jax.lax.stop_gradient(quantized - x)
    avg_probs = jnp.mean(encodings, axis=0)
    perplexity = jnp.exp(-jnp.sum(avg_probs * jnp.log(avg_probs + 1e-10)))
    return (loss, quantized_st.reshape(bs, seq_len, -1), perplexity, encodings, encoding_indices)

if __name__ == "__main__":
    import jax
    _d = setup_inputs()
    print(jax.jit(kernel)(*tuple(_d.values())))

</pallas_src>

<mosaic_0001>
#map = affine_map<(d0, d1) -> (0, 0)>
module attributes {stable_mosaic.version = 14 : i64} {
  func.func @sq(%arg0: i32, %arg1: i32, %arg2: memref<32x1728xi32, #tpu.memory_space<hbm>>, %arg3: memref<1024x128xf32, #tpu.memory_space<hbm>>, %arg4: memref<55296x128xf32, #tpu.memory_space<hbm>>, %arg5: memref<1728xi32, #tpu.memory_space<vmem>>, %arg6: memref<432x128xf32, #tpu.memory_space<vmem>>, %arg7: memref<432x128xf32, #tpu.memory_space<vmem>>, %arg8: memref<!tpu.dma_semaphore, #tpu.memory_space<semaphore_mem>>, %arg9: memref<!tpu.dma_semaphore, #tpu.memory_space<semaphore_mem>>) attributes {dimension_semantics = [#tpu.dimension_semantics<core_parallel>, #tpu.dimension_semantics<subcore_parallel>], iteration_bounds = array<i64: 2, 16>, scalar_prefetch = 0 : i64, scratch_operands = 5 : i64, tpu.core_type = #tpu.core_type<sc_vector_subcore>, window_params = [{transform_indices = #map}, {transform_indices = #map}, {transform_indices = #map}]} {
    %mul3A = arith.constant 2 : i32
    %mul3A_0 = arith.muli %arg1, %mul3A : i32
    %add3A = arith.addi %mul3A_0, %arg0 : i32
    %mul3A_1 = arith.constant 1728 : i32
    %mul3A_2 = arith.muli %add3A, %mul3A_1 : i32
    "tpu.region"() ({
      %run_scoped3A = tpu.sem_alloc : memref<!tpu.dma_semaphore, #tpu.memory_space<semaphore_mem>>
      %dma_start3A_49 = arith.constant 0 : i32
      %dma_start3A_50 = tpu.memref_slice %arg2[%add3A, %dma_start3A_49] : memref<32x1728xi32, #tpu.memory_space<hbm>> -> memref<1x1728xi32, #tpu.memory_space<hbm>>
      %dma_start3A_51 = tpu.memref_squeeze %dma_start3A_50 : memref<1x1728xi32, #tpu.memory_space<hbm>> -> memref<1728xi32, #tpu.memory_space<hbm>>
      %dma_start3A_52 = arith.constant 0 : i32
      %dma_start3A_53 = tpu.memref_slice %arg2[%add3A, %dma_start3A_52] : memref<32x1728xi32, #tpu.memory_space<hbm>> -> memref<1x1728xi32, #tpu.memory_space<hbm>>
      %dma_start3A_54 = tpu.memref_squeeze %dma_start3A_53 : memref<1x1728xi32, #tpu.memory_space<hbm>> -> memref<1728xi32, #tpu.memory_space<hbm>>
      tpu.enqueue_dma source(%dma_start3A_54 : memref<1728xi32, #tpu.memory_space<hbm>>) target(%arg5 : memref<1728xi32, #tpu.memory_space<vmem>>) target_semaphore(%run_scoped3A : memref<!tpu.dma_semaphore, #tpu.memory_space<semaphore_mem>>)
      %dma_wait3A_55 = arith.constant 0 : i32
      %dma_wait3A_56 = tpu.memref_slice %arg2[%add3A, %dma_wait3A_55] : memref<32x1728xi32, #tpu.memory_space<hbm>> -> memref<1x1728xi32, #tpu.memory_space<hbm>>
      %dma_wait3A_57 = tpu.memref_squeeze %dma_wait3A_56 : memref<1x1728xi32, #tpu.memory_space<hbm>> -> memref<1728xi32, #tpu.memory_space<hbm>>
      %dma_wait3A_58 = arith.constant 0 : i32
      %dma_wait3A_59 = tpu.memref_slice %arg2[%add3A, %dma_wait3A_58] : memref<32x1728xi32, #tpu.memory_space<hbm>> -> memref<1x1728xi32, #tpu.memory_space<hbm>>
      %dma_wait3A_60 = tpu.memref_squeeze %dma_wait3A_59 : memref<1x1728xi32, #tpu.memory_space<hbm>> -> memref<1728xi32, #tpu.memory_space<hbm>>
      tpu.wait_dma2 semaphore(%run_scoped3A : memref<!tpu.dma_semaphore, #tpu.memory_space<semaphore_mem>>) src(%dma_wait3A_60 : memref<1728xi32, #tpu.memory_space<hbm>>) dst(%arg5 : memref<1728xi32, #tpu.memory_space<vmem>>)
      tpu.yield
    }) : () -> ()
    %dma_start3A = arith.constant 0 : i32
    %dma_start3A_3 = tpu.memref_slice %arg5[%dma_start3A] : memref<1728xi32, #tpu.memory_space<vmem>> -> memref<432xi32, #tpu.memory_space<vmem>>
    %dma_start3A_4 = arith.constant 0 : i32
    %dma_start3A_5 = arith.constant 0 : i32
    %dma_start3A_6 = tpu.memref_slice %arg3[%dma_start3A_4, %dma_start3A_5] : memref<1024x128xf32, #tpu.memory_space<hbm>> -> memref<1024x128xf32, #tpu.memory_space<hbm>>
    tpu.enqueue_indirect_dma source(%dma_start3A_6 : memref<1024x128xf32, #tpu.memory_space<hbm>>) target(%arg6 : memref<432x128xf32, #tpu.memory_space<vmem>>) offsets(%dma_start3A_3 : memref<432xi32, #tpu.memory_space<vmem>>) semaphore(%arg8 : memref<!tpu.dma_semaphore, #tpu.memory_space<semaphore_mem>>)
    %dma_start3A_7 = arith.constant 432 : i32
    %dma_start3A_8 = tpu.memref_slice %arg5[%dma_start3A_7] : memref<1728xi32, #tpu.memory_space<vmem>> -> memref<432xi32, #tpu.memory_space<vmem>>
    %dma_start3A_9 = arith.constant 0 : i32
    %dma_start3A_10 = arith.constant 0 : i32
    %dma_start3A_11 = tpu.memref_slice %arg3[%dma_start3A_9, %dma_start3A_10] : memref<1024x128xf32, #tpu.memory_space<hbm>> -> memref<1024x128xf32, #tpu.memory_space<hbm>>
    tpu.enqueue_indirect_dma source(%dma_start3A_11 : memref<1024x128xf32, #tpu.memory_space<hbm>>) target(%arg7 : memref<432x128xf32, #tpu.memory_space<vmem>>) offsets(%dma_start3A_8 : memref<432xi32, #tpu.memory_space<vmem>>) semaphore(%arg9 : memref<!tpu.dma_semaphore, #tpu.memory_space<semaphore_mem>>)
    %dma_wait3A = arith.constant 0 : i32
    %dma_wait3A_12 = tpu.memref_slice %arg5[%dma_wait3A] : memref<1728xi32, #tpu.memory_space<vmem>> -> memref<432xi32, #tpu.memory_space<vmem>>
    %dma_wait3A_13 = arith.constant 0 : i32
    %dma_wait3A_14 = arith.constant 0 : i32
    %dma_wait3A_15 = tpu.memref_slice %arg3[%dma_wait3A_13, %dma_wait3A_14] : memref<1024x128xf32, #tpu.memory_space<hbm>> -> memref<1024x128xf32, #tpu.memory_space<hbm>>
    tpu.wait_indirect_dma semaphore(%arg8 : memref<!tpu.dma_semaphore, #tpu.memory_space<semaphore_mem>>) src(%dma_wait3A_15 : memref<1024x128xf32, #tpu.memory_space<hbm>>) dst(%arg6 : memref<432x128xf32, #tpu.memory_space<vmem>>)
    %add3A_16 = arith.constant 0 : i32
    %add3A_17 = arith.addi %mul3A_2, %add3A_16 : i32
    "tpu.region"() ({
      %run_scoped3A = tpu.sem_alloc : memref<!tpu.dma_semaphore, #tpu.memory_space<semaphore_mem>>
      %dma_start3A_49 = arith.constant 0 : i32
      %dma_start3A_50 = tpu.memref_slice %arg4[%add3A_17, %dma_start3A_49] : memref<55296x128xf32, #tpu.memory_space<hbm>> -> memref<432x128xf32, #tpu.memory_space<hbm>>
      %dma_start3A_51 = arith.constant 0 : i32
      %dma_start3A_52 = tpu.memref_slice %arg4[%add3A_17, %dma_start3A_51] : memref<55296x128xf32, #tpu.memory_space<hbm>> -> memref<432x128xf32, #tpu.memory_space<hbm>>
      tpu.enqueue_dma source(%arg6 : memref<432x128xf32, #tpu.memory_space<vmem>>) target(%dma_start3A_52 : memref<432x128xf32, #tpu.memory_space<hbm>>) target_semaphore(%run_scoped3A : memref<!tpu.dma_semaphore, #tpu.memory_space<semaphore_mem>>)
      %dma_wait3A_53 = arith.constant 0 : i32
      %dma_wait3A_54 = tpu.memref_slice %arg4[%add3A_17, %dma_wait3A_53] : memref<55296x128xf32, #tpu.memory_space<hbm>> -> memref<432x128xf32, #tpu.memory_space<hbm>>
      %dma_wait3A_55 = arith.constant 0 : i32
      %dma_wait3A_56 = tpu.memref_slice %arg4[%add3A_17, %dma_wait3A_55] : memref<55296x128xf32, #tpu.memory_space<hbm>> -> memref<432x128xf32, #tpu.memory_space<hbm>>
      tpu.wait_dma2 semaphore(%run_scoped3A : memref<!tpu.dma_semaphore, #tpu.memory_space<semaphore_mem>>) src(%arg6 : memref<432x128xf32, #tpu.memory_space<vmem>>) dst(%dma_wait3A_56 : memref<432x128xf32, #tpu.memory_space<hbm>>)
      tpu.yield
    }) : () -> ()
    %dma_start3A_18 = arith.constant 864 : i32
    %dma_start3A_19 = tpu.memref_slice %arg5[%dma_start3A_18] : memref<1728xi32, #tpu.memory_space<vmem>> -> memref<432xi32, #tpu.memory_space<vmem>>
    %dma_start3A_20 = arith.constant 0 : i32
    %dma_start3A_21 = arith.constant 0 : i32
    %dma_start3A_22 = tpu.memref_slice %arg3[%dma_start3A_20, %dma_start3A_21] : memref<1024x128xf32, #tpu.memory_space<hbm>> -> memref<1024x128xf32, #tpu.memory_space<hbm>>
    tpu.enqueue_indirect_dma source(%dma_start3A_22 : memref<1024x128xf32, #tpu.memory_space<hbm>>) target(%arg6 : memref<432x128xf32, #tpu.memory_space<vmem>>) offsets(%dma_start3A_19 : memref<432xi32, #tpu.memory_space<vmem>>) semaphore(%arg8 : memref<!tpu.dma_semaphore, #tpu.memory_space<semaphore_mem>>)
    %dma_wait3A_23 = arith.constant 432 : i32
    %dma_wait3A_24 = tpu.memref_slice %arg5[%dma_wait3A_23] : memref<1728xi32, #tpu.memory_space<vmem>> -> memref<432xi32, #tpu.memory_space<vmem>>
    %dma_wait3A_25 = arith.constant 0 : i32
    %dma_wait3A_26 = arith.constant 0 : i32
    %dma_wait3A_27 = tpu.memref_slice %arg3[%dma_wait3A_25, %dma_wait3A_26] : memref<1024x128xf32, #tpu.memory_space<hbm>> -> memref<1024x128xf32, #tpu.memory_space<hbm>>
    tpu.wait_indirect_dma semaphore(%arg9 : memref<!tpu.dma_semaphore, #tpu.memory_space<semaphore_mem>>) src(%dma_wait3A_27 : memref<1024x128xf32, #tpu.memory_space<hbm>>) dst(%arg7 : memref<432x128xf32, #tpu.memory_space<vmem>>)
    %add3A_28 = arith.constant 432 : i32
    %add3A_29 = arith.addi %mul3A_2, %add3A_28 : i32
    "tpu.region"() ({
      %run_scoped3A = tpu.sem_alloc : memref<!tpu.dma_semaphore, #tpu.memory_space<semaphore_mem>>
      %dma_start3A_49 = arith.constant 0 : i32
      %dma_start3A_50 = tpu.memref_slice %arg4[%add3A_29, %dma_start3A_49] : memref<55296x128xf32, #tpu.memory_space<hbm>> -> memref<432x128xf32, #tpu.memory_space<hbm>>
      %dma_start3A_51 = arith.constant 0 : i32
      %dma_start3A_52 = tpu.memref_slice %arg4[%add3A_29, %dma_start3A_51] : memref<55296x128xf32, #tpu.memory_space<hbm>> -> memref<432x128xf32, #tpu.memory_space<hbm>>
      tpu.enqueue_dma source(%arg7 : memref<432x128xf32, #tpu.memory_space<vmem>>) target(%dma_start3A_52 : memref<432x128xf32, #tpu.memory_space<hbm>>) target_semaphore(%run_scoped3A : memref<!tpu.dma_semaphore, #tpu.memory_space<semaphore_mem>>)
      %dma_wait3A_53 = arith.constant 0 : i32
      %dma_wait3A_54 = tpu.memref_slice %arg4[%add3A_29, %dma_wait3A_53] : memref<55296x128xf32, #tpu.memory_space<hbm>> -> memref<432x128xf32, #tpu.memory_space<hbm>>
      %dma_wait3A_55 = arith.constant 0 : i32
      %dma_wait3A_56 = tpu.memref_slice %arg4[%add3A_29, %dma_wait3A_55] : memref<55296x128xf32, #tpu.memory_space<hbm>> -> memref<432x128xf32, #tpu.memory_space<hbm>>
      tpu.wait_dma2 semaphore(%run_scoped3A : memref<!tpu.dma_semaphore, #tpu.memory_space<semaphore_mem>>) src(%arg7 : memref<432x128xf32, #tpu.memory_space<vmem>>) dst(%dma_wait3A_56 : memref<432x128xf32, #tpu.memory_space<hbm>>)
      tpu.yield
    }) : () -> ()
    %dma_start3A_30 = arith.constant 1296 : i32
    %dma_start3A_31 = tpu.memref_slice %arg5[%dma_start3A_30] : memref<1728xi32, #tpu.memory_space<vmem>> -> memref<432xi32, #tpu.memory_space<vmem>>
    %dma_start3A_32 = arith.constant 0 : i32
    %dma_start3A_33 = arith.constant 0 : i32
    %dma_start3A_34 = tpu.memref_slice %arg3[%dma_start3A_32, %dma_start3A_33] : memref<1024x128xf32, #tpu.memory_space<hbm>> -> memref<1024x128xf32, #tpu.memory_space<hbm>>
    tpu.enqueue_indirect_dma source(%dma_start3A_34 : memref<1024x128xf32, #tpu.memory_space<hbm>>) target(%arg7 : memref<432x128xf32, #tpu.memory_space<vmem>>) offsets(%dma_start3A_31 : memref<432xi32, #tpu.memory_space<vmem>>) semaphore(%arg9 : memref<!tpu.dma_semaphore, #tpu.memory_space<semaphore_mem>>)
    %dma_wait3A_35 = arith.constant 864 : i32
    %dma_wait3A_36 = tpu.memref_slice %arg5[%dma_wait3A_35] : memref<1728xi32, #tpu.memory_space<vmem>> -> memref<432xi32, #tpu.memory_space<vmem>>
    %dma_wait3A_37 = arith.constant 0 : i32
    %dma_wait3A_38 = arith.constant 0 : i32
    %dma_wait3A_39 = tpu.memref_slice %arg3[%dma_wait3A_37, %dma_wait3A_38] : memref<1024x128xf32, #tpu.memory_space<hbm>> -> memref<1024x128xf32, #tpu.memory_space<hbm>>
    tpu.wait_indirect_dma semaphore(%arg8 : memref<!tpu.dma_semaphore, #tpu.memory_space<semaphore_mem>>) src(%dma_wait3A_39 : memref<1024x128xf32, #tpu.memory_space<hbm>>) dst(%arg6 : memref<432x128xf32, #tpu.memory_space<vmem>>)
    %add3A_40 = arith.constant 864 : i32
    %add3A_41 = arith.addi %mul3A_2, %add3A_40 : i32
    "tpu.region"() ({
      %run_scoped3A = tpu.sem_alloc : memref<!tpu.dma_semaphore, #tpu.memory_space<semaphore_mem>>
      %dma_start3A_49 = arith.constant 0 : i32
      %dma_start3A_50 = tpu.memref_slice %arg4[%add3A_41, %dma_start3A_49] : memref<55296x128xf32, #tpu.memory_space<hbm>> -> memref<432x128xf32, #tpu.memory_space<hbm>>
      %dma_start3A_51 = arith.constant 0 : i32
      %dma_start3A_52 = tpu.memref_slice %arg4[%add3A_41, %dma_start3A_51] : memref<55296x128xf32, #tpu.memory_space<hbm>> -> memref<432x128xf32, #tpu.memory_space<hbm>>
      tpu.enqueue_dma source(%arg6 : memref<432x128xf32, #tpu.memory_space<vmem>>) target(%dma_start3A_52 : memref<432x128xf32, #tpu.memory_space<hbm>>) target_semaphore(%run_scoped3A : memref<!tpu.dma_semaphore, #tpu.memory_space<semaphore_mem>>)
      %dma_wait3A_53 = arith.constant 0 : i32
      %dma_wait3A_54 = tpu.memref_slice %arg4[%add3A_41, %dma_wait3A_53] : memref<55296x128xf32, #tpu.memory_space<hbm>> -> memref<432x128xf32, #tpu.memory_space<hbm>>
      %dma_wait3A_55 = arith.constant 0 : i32
      %dma_wait3A_56 = tpu.memref_slice %arg4[%add3A_41, %dma_wait3A_55] : memref<55296x128xf32, #tpu.memory_space<hbm>> -> memref<432x128xf32, #tpu.memory_space<hbm>>
      tpu.wait_dma2 semaphore(%run_scoped3A : memref<!tpu.dma_semaphore, #tpu.memory_space<semaphore_mem>>) src(%arg6 : memref<432x128xf32, #tpu.memory_space<vmem>>) dst(%dma_wait3A_56 : memref<432x128xf32, #tpu.memory_space<hbm>>)
      tpu.yield
    }) : () -> ()
    %dma_wait3A_42 = arith.constant 1296 : i32
    %dma_wait3A_43 = tpu.memref_slice %arg5[%dma_wait3A_42] : memref<1728xi32, #tpu.memory_space<vmem>> -> memref<432xi32, #tpu.memory_space<vmem>>
    %dma_wait3A_44 = arith.constant 0 : i32
    %dma_wait3A_45 = arith.constant 0 : i32
    %dma_wait3A_46 = tpu.memref_slice %arg3[%dma_wait3A_44, %dma_wait3A_45] : memref<1024x128xf32, #tpu.memory_space<hbm>> -> memref<1024x128xf32, #tpu.memory_space<hbm>>
    tpu.wait_indirect_dma semaphore(%arg9 : memref<!tpu.dma_semaphore, #tpu.memory_space<semaphore_mem>>) src(%dma_wait3A_46 : memref<1024x128xf32, #tpu.memory_space<hbm>>) dst(%arg7 : memref<432x128xf32, #tpu.memory_space<vmem>>)
    %add3A_47 = arith.constant 1296 : i32
    %add3A_48 = arith.addi %mul3A_2, %add3A_47 : i32
    "tpu.region"() ({
      %run_scoped3A = tpu.sem_alloc : memref<!tpu.dma_semaphore, #tpu.memory_space<semaphore_mem>>
      %dma_start3A_49 = arith.constant 0 : i32
      %dma_start3A_50 = tpu.memref_slice %arg4[%add3A_48, %dma_start3A_49] : memref<55296x128xf32, #tpu.memory_space<hbm>> -> memref<432x128xf32, #tpu.memory_space<hbm>>
      %dma_start3A_51 = arith.constant 0 : i32
      %dma_start3A_52 = tpu.memref_slice %arg4[%add3A_48, %dma_start3A_51] : memref<55296x128xf32, #tpu.memory_space<hbm>> -> memref<432x128xf32, #tpu.memory_space<hbm>>
      tpu.enqueue_dma source(%arg7 : memref<432x128xf32, #tpu.memory_space<vmem>>) target(%dma_start3A_52 : memref<432x128xf32, #tpu.memory_space<hbm>>) target_semaphore(%run_scoped3A : memref<!tpu.dma_semaphore, #tpu.memory_space<semaphore_mem>>)
      %dma_wait3A_53 = arith.constant 0 : i32
      %dma_wait3A_54 = tpu.memref_slice %arg4[%add3A_48, %dma_wait3A_53] : memref<55296x128xf32, #tpu.memory_space<hbm>> -> memref<432x128xf32, #tpu.memory_space<hbm>>
      %dma_wait3A_55 = arith.constant 0 : i32
      %dma_wait3A_56 = tpu.memref_slice %arg4[%add3A_48, %dma_wait3A_55] : memref<55296x128xf32, #tpu.memory_space<hbm>> -> memref<432x128xf32, #tpu.memory_space<hbm>>
      tpu.wait_dma2 semaphore(%run_scoped3A : memref<!tpu.dma_semaphore, #tpu.memory_space<semaphore_mem>>) src(%arg7 : memref<432x128xf32, #tpu.memory_space<vmem>>) dst(%dma_wait3A_56 : memref<432x128xf32, #tpu.memory_space<hbm>>)
      tpu.yield
    }) : () -> ()
    return
  }
}

module attributes {stable_mosaic.version = 14 : i64} {
  func.func @_pass_a(%arg0: i32, %arg1: memref<2048x64xf32, #tpu.memory_space<vmem>>, %arg2: memref<1024x64xf32, #tpu.memory_space<vmem>>, %arg3: memref<2048x1xf32, #tpu.memory_space<vmem>>, %arg4: memref<1x1024xf32, #tpu.memory_space<vmem>>, %arg5: memref<2048x1xi32, #tpu.memory_space<vmem>>, %arg6: memref<1x1xf32, #tpu.memory_space<vmem>>, %arg7: memref<1x1xf32, #tpu.memory_space<smem>>) attributes {dimension_semantics = [#tpu.dimension_semantics<arbitrary>], iteration_bounds = array<i64: 27>, scalar_prefetch = 0 : i64, scratch_operands = 1 : i64, tpu.core_type = #tpu.core_type<tc>, window_params = [{transform_indices = @transform_0, window_bounds = array<i64: 2048, 64>}, {pipeline_mode = #tpu.pipeline_mode<synchronous>, transform_indices = @transform_1, window_bounds = array<i64: 1024, 64>}, {transform_indices = @transform_2, window_bounds = array<i64: 2048, 1>}, {pipeline_mode = #tpu.pipeline_mode<synchronous>, transform_indices = @transform_3, window_bounds = array<i64: 1, 1024>}, {transform_indices = @transform_4, window_bounds = array<i64: 2048, 1>}, {pipeline_mode = #tpu.pipeline_mode<synchronous>, transform_indices = @transform_5, window_bounds = array<i64: 1, 1>}]} {
    %eq3A = arith.constant 0 : i32
    %eq3A_0 = arith.cmpi eq, %arg0, %eq3A : i32
    %convert_element_type3A = arith.extui %eq3A_0 : i1 to i32
    %cond3A = arith.constant 0 : i32
    %cond3A_1 = arith.cmpi ne, %convert_element_type3A, %cond3A : i32
    scf.if %cond3A_1 {
      %swap3A_43 = arith.constant 0.000000e+00 : f32
      %swap3A_44 = arith.constant 0 : index
      %swap3A_45 = arith.constant 0 : index
      %swap3A_46 = memref.load %arg7[%swap3A_44, %swap3A_45] : memref<1x1xf32, #tpu.memory_space<smem>>
      memref.store %swap3A_43, %arg7[%swap3A_44, %swap3A_45] : memref<1x1xf32, #tpu.memory_space<smem>>
    } else {
    }
    %get3A = arith.constant 0 : index
    %get3A_2 = arith.constant 0 : index
    %get3A_3 = vector.load %arg1[%get3A, %get3A_2] : memref<2048x64xf32, #tpu.memory_space<vmem>>, vector<2048x64xf32>
    %get3A_4 = arith.constant 0 : index
    %get3A_5 = arith.constant 0 : index
    %get3A_6 = vector.load %arg2[%get3A_4, %get3A_5] : memref<1024x64xf32, #tpu.memory_space<vmem>>, vector<1024x64xf32>
    %dot_general3A = arith.constant dense<0.000000e+00> : vector<2048x1024xf32>
    %dot_general3A_7 = tpu.matmul %get3A_3, %get3A_6, %dot_general3A {dimension_numbers = #tpu.dot_dimension_numbers<[1], [1], [0], [0], [0, 0, 1, 0], [], []>, transpose_lhs_hint = false} : vector<2048x64xf32>, vector<1024x64xf32>, vector<2048x1024xf32> -> vector<2048x1024xf32>
    %get3A_8 = arith.constant 0 : index
    %get3A_9 = arith.constant 0 : index
    %get3A_10 = vector.load %arg3[%get3A_8, %get3A_9] : memref<2048x1xf32, #tpu.memory_space<vmem>>, vector<2048x1xf32>
    %get3A_11 = arith.constant 0 : index
    %get3A_12 = arith.constant 0 : index
    %get3A_13 = vector.load %arg4[%get3A_11, %get3A_12] : memref<1x1024xf32, #tpu.memory_space<vmem>>, vector<1x1024xf32>
    %add3A = vector.broadcast %get3A_10 : vector<2048x1xf32> to vector<2048x1024xf32>
    %add3A_14 = vector.broadcast %get3A_13 : vector<1x1024xf32> to vector<2048x1024xf32>
    %add3A_15 = arith.addf %add3A, %add3A_14 : vector<2048x1024xf32>
    %mul3A = arith.constant 2.000000e+00 : f32
    %mul3A_16 = vector.broadcast %mul3A : f32 to vector<2048x1024xf32>
    %mul3A_17 = arith.mulf %mul3A_16, %dot_general3A_7 : vector<2048x1024xf32>
    %sub3A = arith.subf %add3A_15, %mul3A_17 : vector<2048x1024xf32>
    %reduce_min3A = arith.constant dense<0x7F800000> : vector<2048xf32>
    %reduce_min3A_18 = vector.multi_reduction <minimumf>, %sub3A, %reduce_min3A [1] : vector<2048x1024xf32> to vector<2048xf32>
    %broadcast_in_dim3A = vector.shape_cast %reduce_min3A_18 : vector<2048xf32> to vector<2048x1xf32>
    %iota3A = tpu.iota {dimensions = array<i32: 1>} : vector<2048x1024xi32>
    %eq3A_19 = vector.broadcast %broadcast_in_dim3A : vector<2048x1xf32> to vector<2048x1024xf32>
    %eq3A_20 = arith.cmpf oeq, %sub3A, %eq3A_19 : vector<2048x1024xf32>
    %jit3A = arith.constant 1024 : i32
    %broadcast_in_dim3A_21 = vector.broadcast %jit3A : i32 to vector<2048x1024xi32>
    %select_n3A = arith.select %eq3A_20, %iota3A, %broadcast_in_dim3A_21 : vector<2048x1024xi1>, vector<2048x1024xi32>
    %reduce_min3A_22 = arith.constant dense<2147483647> : vector<2048xi32>
    %reduce_min3A_23 = vector.multi_reduction <minsi>, %select_n3A, %reduce_min3A_22 [1] : vector<2048x1024xi32> to vector<2048xi32>
    %broadcast_in_dim3A_24 = vector.shape_cast %reduce_min3A_23 : vector<2048xi32> to vector<2048x1xi32>
    %swap3A = arith.constant 0 : index
    %swap3A_25 = arith.constant 0 : index
    %swap3A_26 = vector.load %arg5[%swap3A, %swap3A_25] : memref<2048x1xi32, #tpu.memory_space<vmem>>, vector<2048x1xi32>
    tpu.vector_store %arg5[%swap3A, %swap3A_25], %broadcast_in_dim3A_24 {strides = array<i32>} : memref<2048x1xi32, #tpu.memory_space<vmem>>, vector<2048x1xi32>,
    %get3A_27 = arith.constant 0 : index
    %get3A_28 = arith.constant 0 : index
    %get3A_29 = memref.load %arg7[%get3A_27, %get3A_28] : memref<1x1xf32, #tpu.memory_space<smem>>
    %reduce_sum3A = vector.shape_cast %broadcast_in_dim3A : vector<2048x1xf32> to vector<1x2048x1xf32>
    %reduce_sum3A_30 = arith.constant dense<0.000000e+00> : vector<1xf32>
    %reduce_sum3A_31 = vector.multi_reduction <add>, %reduce_sum3A, %reduce_sum3A_30 [1, 2] : vector<1x2048x1xf32> to vector<1xf32>
    %reduce_sum3A_32 = vector.shape_cast %reduce_sum3A_31 : vector<1xf32> to vector<1x1x1xf32>
    %reduce_sum3A_33 = vector.extract %reduce_sum3A_32[0, 0, 0] : f32 from vector<1x1x1xf32>
    %add3A_34 = arith.addf %get3A_29, %reduce_sum3A_33 : f32
    %swap3A_35 = arith.constant 0 : index
    %swap3A_36 = arith.constant 0 : index
    %swap3A_37 = memref.load %arg7[%swap3A_35, %swap3A_36] : memref<1x1xf32, #tpu.memory_space<smem>>
    memref.store %add3A_34, %arg7[%swap3A_35, %swap3A_36] : memref<1x1xf32, #tpu.memory_space<smem>>
    %eq3A_38 = arith.constant 26 : i32
    %eq3A_39 = arith.cmpi eq, %arg0, %eq3A_38 : i32
    %convert_element_type3A_40 = arith.extui %eq3A_39 : i1 to i32
    %cond3A_41 = arith.constant 0 : i32
    %cond3A_42 = arith.cmpi ne, %convert_element_type3A_40, %cond3A_41 : i32
    scf.if %cond3A_42 {
      %get3A_43 = arith.constant 0 : index
      %get3A_44 = arith.constant 0 : index
      %get3A_45 = memref.load %arg7[%get3A_43, %get3A_44] : memref<1x1xf32, #tpu.memory_space<smem>>
      %mul3A_46 = arith.constant 1.250000e+00 : f32
      %mul3A_47 = arith.mulf %mul3A_46, %get3A_45 : f32
      %div3A = arith.constant 0x4A580000 : f32
      %div3A_48 = arith.divf %mul3A_47, %div3A : f32
      %broadcast_in_dim3A_49 = vector.broadcast %div3A_48 : f32 to vector<1x1xf32>
      %swap3A_50 = arith.constant 0 : index
      %swap3A_51 = arith.constant 0 : index
      %swap3A_52 = vector.load %arg6[%swap3A_50, %swap3A_51] : memref<1x1xf32, #tpu.memory_space<vmem>>, vector<1x1xf32>
      tpu.vector_store %arg6[%swap3A_50, %swap3A_51], %broadcast_in_dim3A_49 {strides = array<i32>} : memref<1x1xf32, #tpu.memory_space<vmem>>, vector<1x1xf32>,
    } else {
    }
    return
  }
  func.func @transform_0(%arg0: i32) -> (i32, i32) {
    %c0_i32 = arith.constant 0 : i32
    %c0_i32_0 = arith.constant 0 : i32
    return %arg0, %c0_i32 : i32, i32
  }
  func.func @transform_1(%arg0: i32) -> (i32, i32) {
    %c0_i32 = arith.constant 0 : i32
    %c0_i32_0 = arith.constant 0 : i32
    %c0_i32_1 = arith.constant 0 : i32
    return %c0_i32, %c0_i32_0 : i32, i32
  }
  func.func @transform_2(%arg0: i32) -> (i32, i32) {
    %c0_i32 = arith.constant 0 : i32
    %c0_i32_0 = arith.constant 0 : i32
    return %arg0, %c0_i32 : i32, i32
  }
  func.func @transform_3(%arg0: i32) -> (i32, i32) {
    %c0_i32 = arith.constant 0 : i32
    %c0_i32_0 = arith.constant 0 : i32
    %c0_i32_1 = arith.constant 0 : i32
    return %c0_i32, %c0_i32_0 : i32, i32
  }
  func.func @transform_4(%arg0: i32) -> (i32, i32) {
    %c0_i32 = arith.constant 0 : i32
    %c0_i32_0 = arith.constant 0 : i32
    return %arg0, %c0_i32 : i32, i32
  }
  func.func @transform_5(%arg0: i32) -> (i32, i32) {
    %c0_i32 = arith.constant 0 : i32
    %c0_i32_0 = arith.constant 0 : i32
    %c0_i32_1 = arith.constant 0 : i32
    return %c0_i32, %c0_i32_0 : i32, i32
  }
}

module attributes {stable_mosaic.version = 14 : i64} {
  func.func @_pass_b(%arg0: i32, %arg1: memref<2048x1xi32, #tpu.memory_space<vmem>>, %arg2: memref<2048x1024xf32, #tpu.memory_space<vmem>>, %arg3: memref<1x1xf32, #tpu.memory_space<vmem>>, %arg4: memref<1x1024xf32, #tpu.memory_space<vmem>>) attributes {dimension_semantics = [#tpu.dimension_semantics<arbitrary>], iteration_bounds = array<i64: 27>, scalar_prefetch = 0 : i64, scratch_operands = 1 : i64, tpu.core_type = #tpu.core_type<tc>, window_params = [{transform_indices = @transform_0, window_bounds = array<i64: 2048, 1>}, {transform_indices = @transform_1, window_bounds = array<i64: 2048, 1024>}, {pipeline_mode = #tpu.pipeline_mode<synchronous>, transform_indices = @transform_2, window_bounds = array<i64: 1, 1>}]} {
    %eq3A = arith.constant 0 : i32
    %eq3A_0 = arith.cmpi eq, %arg0, %eq3A : i32
    %convert_element_type3A = arith.extui %eq3A_0 : i1 to i32
    %cond3A = arith.constant 0 : i32
    %cond3A_1 = arith.cmpi ne, %convert_element_type3A, %cond3A : i32
    scf.if %cond3A_1 {
      %broadcast_in_dim3A_22 = arith.constant 0.000000e+00 : f32
      %broadcast_in_dim3A_23 = vector.broadcast %broadcast_in_dim3A_22 : f32 to vector<1x1024xf32>
      %swap3A_24 = arith.constant 0 : index
      %swap3A_25 = arith.constant 0 : index
      %swap3A_26 = vector.load %arg4[%swap3A_24, %swap3A_25] : memref<1x1024xf32, #tpu.memory_space<vmem>>, vector<1x1024xf32>
      tpu.vector_store %arg4[%swap3A_24, %swap3A_25], %broadcast_in_dim3A_23 {strides = array<i32>} : memref<1x1024xf32, #tpu.memory_space<vmem>>, vector<1x1024xf32>,
    } else {
    }
    %iota3A = tpu.iota {dimensions = array<i32: 1>} : vector<2048x1024xi32>
    %get3A = arith.constant 0 : index
    %get3A_2 = arith.constant 0 : index
    %get3A_3 = vector.load %arg1[%get3A, %get3A_2] : memref<2048x1xi32, #tpu.memory_space<vmem>>, vector<2048x1xi32>
    %eq3A_4 = vector.broadcast %get3A_3 : vector<2048x1xi32> to vector<2048x1024xi32>
    %eq3A_5 = arith.cmpi eq, %iota3A, %eq3A_4 : vector<2048x1024xi32>
    %convert_element_type3A_6 = arith.extui %eq3A_5 : vector<2048x1024xi1> to vector<2048x1024xi32>
    %convert_element_type3A_7 = arith.sitofp %convert_element_type3A_6 : vector<2048x1024xi32> to vector<2048x1024xf32>
    %swap3A = arith.constant 0 : index
    %swap3A_8 = arith.constant 0 : index
    %swap3A_9 = vector.load %arg2[%swap3A, %swap3A_8] : memref<2048x1024xf32, #tpu.memory_space<vmem>>, vector<2048x1024xf32>
    tpu.vector_store %arg2[%swap3A, %swap3A_8], %convert_element_type3A_7 {strides = array<i32>} : memref<2048x1024xf32, #tpu.memory_space<vmem>>, vector<2048x1024xf32>,
    %get3A_10 = arith.constant 0 : index
    %get3A_11 = arith.constant 0 : index
    %get3A_12 = vector.load %arg4[%get3A_10, %get3A_11] : memref<1x1024xf32, #tpu.memory_space<vmem>>, vector<1x1024xf32>
    %reduce_sum3A = arith.constant dense<0.000000e+00> : vector<1024xf32>
    %reduce_sum3A_13 = vector.multi_reduction <add>, %convert_element_type3A_7, %reduce_sum3A [0] : vector<2048x1024xf32> to vector<1024xf32>
    %broadcast_in_dim3A = vector.shape_cast %reduce_sum3A_13 : vector<1024xf32> to vector<1x1024xf32>
    %add3A = arith.addf %get3A_12, %broadcast_in_dim3A : vector<1x1024xf32>
    %swap3A_14 = arith.constant 0 : index
    %swap3A_15 = arith.constant 0 : index
    %swap3A_16 = vector.load %arg4[%swap3A_14, %swap3A_15] : memref<1x1024xf32, #tpu.memory_space<vmem>>, vector<1x1024xf32>
    tpu.vector_store %arg4[%swap3A_14, %swap3A_15], %add3A {strides = array<i32>} : memref<1x1024xf32, #tpu.memory_space<vmem>>, vector<1x1024xf32>,
    %eq3A_17 = arith.constant 26 : i32
    %eq3A_18 = arith.cmpi eq, %arg0, %eq3A_17 : i32
    %convert_element_type3A_19 = arith.extui %eq3A_18 : i1 to i32
    %cond3A_20 = arith.constant 0 : i32
    %cond3A_21 = arith.cmpi ne, %convert_element_type3A_19, %cond3A_20 : i32
    scf.if %cond3A_21 {
      %get3A_22 = arith.constant 0 : index
      %get3A_23 = arith.constant 0 : index
      %get3A_24 = vector.load %arg4[%get3A_22, %get3A_23] : memref<1x1024xf32, #tpu.memory_space<vmem>>, vector<1x1024xf32>
      %mul3A = arith.constant 1.80844909E-5 : f32
      %mul3A_25 = vector.broadcast %mul3A : f32 to vector<1x1024xf32>
      %mul3A_26 = arith.mulf %get3A_24, %mul3A_25 : vector<1x1024xf32>
      %add3A_27 = arith.constant 1.000000e-10 : f32
      %add3A_28 = vector.broadcast %add3A_27 : f32 to vector<1x1024xf32>
      %add3A_29 = arith.addf %mul3A_26, %add3A_28 : vector<1x1024xf32>
      %log3A = math.log %add3A_29 : vector<1x1024xf32>
      %mul3A_30 = arith.mulf %mul3A_26, %log3A : vector<1x1024xf32>
      %reduce_sum3A_31 = vector.shape_cast %mul3A_30 : vector<1x1024xf32> to vector<1x1x1024xf32>
      %reduce_sum3A_32 = arith.constant dense<0.000000e+00> : vector<1xf32>
      %reduce_sum3A_33 = vector.multi_reduction <add>, %reduce_sum3A_31, %reduce_sum3A_32 [1, 2] : vector<1x1x1024xf32> to vector<1xf32>
      %reduce_sum3A_34 = vector.shape_cast %reduce_sum3A_33 : vector<1xf32> to vector<1x1x1xf32>
      %reduce_sum3A_35 = vector.extract %reduce_sum3A_34[0, 0, 0] : f32 from vector<1x1x1xf32>
      %broadcast_in_dim3A_36 = vector.broadcast %reduce_sum3A_35 : f32 to vector<1x1xf32>
      %neg3A = arith.constant 0.000000e+00 : f32
      %neg3A_37 = vector.broadcast %neg3A : f32 to vector<1x1xf32>
      %neg3A_38 = arith.subf %neg3A_37, %broadcast_in_dim3A_36 : vector<1x1xf32>
      %exp3A = math.exp %neg3A_38 : vector<1x1xf32>
      %swap3A_39 = arith.constant 0 : index
      %swap3A_40 = arith.constant 0 : index
      %swap3A_41 = vector.load %arg3[%swap3A_39, %swap3A_40] : memref<1x1xf32, #tpu.memory_space<vmem>>, vector<1x1xf32>
      tpu.vector_store %arg3[%swap3A_39, %swap3A_40], %exp3A {strides = array<i32>} : memref<1x1xf32, #tpu.memory_space<vmem>>, vector<1x1xf32>,
    } else {
    }
    return
  }
  func.func @transform_0(%arg0: i32) -> (i32, i32) {
    %c0_i32 = arith.constant 0 : i32
    %c0_i32_0 = arith.constant 0 : i32
    return %arg0, %c0_i32 : i32, i32
  }
  func.func @transform_1(%arg0: i32) -> (i32, i32) {
    %c0_i32 = arith.constant 0 : i32
    %c0_i32_0 = arith.constant 0 : i32
    return %arg0, %c0_i32 : i32, i32
  }
  func.func @transform_2(%arg0: i32) -> (i32, i32) {
    %c0_i32 = arith.constant 0 : i32
    %c0_i32_0 = arith.constant 0 : i32
    %c0_i32_1 = arith.constant 0 : i32
    return %c0_i32, %c0_i32_0 : i32, i32
  }
}

</mosaic_0001>

<sc_bundles>
// kernel: kernel.5.cloned.1.call-start
scs
__scs_entry_jumppad:
0x0: {  	(pc) =	sbr.rel $0x88, $3  }
0x1: {  	(tag) =	ssettag $0x0;
	lr =	simm.s32 $0x1  }
0x2: {  	[smem:$0x3F9F] =	sst lr;
	_ =	strace $0xD0000000  }
0x3: {  	_ = 	snop  }
0x4: {  	_ = 	snop  }
0x5: {  	_ = 	snop  }
0x6: {  	_ = 	snop  }
0x7: {  	_ = 	snop  }
__scs_overlays_trampoline_lowered:
0x8: {  	[smem:$0x3FAE] =	sst s0  }
0x9: {  	[smem:$0x3FAF] =	sst s1  }
0xa: {  	[smem:$0x3FB0] =	sst s2  }
0xb: {  	[smem:$0x3FB1] =	sst s3  }
0xc: {  	[smem:$0x3FB2] =	sst s4  }
0xd: {  	[smem:$0x3FB3] =	sst s5  }
0xe: {  	[smem:$0x3FB4] =	sst s6  }
0xf: {  	[smem:$0x3FB5] =	sst s7  }
0x10: {  	[smem:$0x3FB6] =	sst s8  }
0x11: {  	[smem:$0x3FB7] =	sst s9;
	s0 =	simm.s32 @!p0 $0x0  }
0x12: {  	s1 =	sld [smem:$0x3F9D];
	s0 =	simm.s32 @p0 $0x1  }
0x13: {  	[smem:$0x3FB8] =	sst s0;
	s0 =	simm.s32 @!p1 $0x0  }
0x14: {  	s2 =	sld [smem:$0x3F9C];
	s0 =	simm.s32 @p1 $0x1  }
0x15: {  	[smem:$0x3FB9] =	sst s0;
	s0 =	simm.s32 @!p2 $0x0  }
0x16: {  	s3 =	sld [smem:$0x3FDB];
	s0 =	simm.s32 @p2 $0x1  }
0x17: {  	s4 =	simm.s32 $0x1BF5;
	[smem:$0x3FBB] =	sst s0  }
0x18: {  	s0 =	sld [smem:$0x3F9E];
	_ =	swait.ge [sflag:s4], $0x0  }
0x19: {  	s7 =	sld [smem:$0x3F9F]  }
0x1a: {  	s8 =	sadd.s32 $0xFFFFE003, lr  }
0x1b: {  	s9 =	sadd.s32 $0xFFFFFEF7, lr;
	s5 =	simm.s32 $0xFFFFFFFF;
	p2 =	slt.u32 s8, $0xFFFFF086  }
0x1c: {  	p1 =	slt.u32 s9, $0xF7A;
	s5 =	simm.s32 @!p2 $0x0  }
0x1d: {  	s5 =	simm.s32 @p1 $0x1;
	p0 =	seq.s32 s7, s2  }
0x1e: {  	s7 =	smul.u32 @!p0 $0xF7A, s2;
	p2 =	seq.s32 @!p0 s5, $0x0  }
0x1f: {  	s9 =	smul.u32 $0xF7A, s1;
	s8 =	simm.s32 @!p0 $0x1BF5;
	p2 =	por !p2, p0  }
0x20: {  	[sflag:s8] =	ssyncset.s32 @!p0 $0xFFFFF086;
	s6 =	sadd.s32 @!p0 s3, s7;
	s7 =	simm.s32 @!p0 $0x108  }
0x21: {  	s3 =	sadd.s32 s3, s9;
	s6 =	sadd.s32 @!p0 $0x88, s6;
	s7 =	simm.s32 @p2 $0x1082  }
0x22: {  	[simem:s7], [sflag:s8] =	dma.local @!p0 [hbm:s6], $0xF7A  }
0x23: {  	s9 =	sor.u32 $0xD0000000, s2;
	s6 =	simm.s32 $0x108;
	_ =	swait.ge @!p0 [sflag:s8], $0x0  }
0x24: {  	s3 =	sadd.s32 $0x88, s3;
	s6 =	simm.s32 @!p1 $0x1082;
	[sflag:s4] =	ssyncset.s32 $0xFFFFF086  }
0x25: {  	[simem:s6], [sflag:s4] =	dma.local [hbm:s3], $0xF7A  }
0x26: {  	[smem:$0x3F9F] =	sst s1;
	(tag) =	ssettag s2;
	_ =	strace s9  }
0x27: {  	s1 =	sld [smem:$0x3FAF]  }
0x28: {  	s2 =	sld [smem:$0x3FB0]  }
0x29: {  	s4 =	sld [smem:$0x3FB2]  }
0x2a: {  	p0 =	seq.s32 s5, $0x0;
	s5 =	sld [smem:$0x3FB3]  }
0x2b: {  	s6 =	sld [smem:$0x3FB4]  }
0x2c: {  	s7 =	sld [smem:$0x3FB5]  }
0x2d: {  	s3 =	simm.s32 $0x108;
	s8 =	sld [smem:$0x3FB6]  }
0x2e: {  	s3 =	simm.s32 @!p0 $0x1082;
	s9 =	sld [smem:$0x3FB7]  }
0x2f: {  	lr =	sadd.s32 s0, s3;
	s0 =	sld [smem:$0x3FAE]  }
0x30: {  	s3 =	sld [smem:$0x3FB1]  }
0x31: {  	[smem:$0x3FBA] =	sst s10  }
0x32: {  	s10 =	sld [smem:$0x3FB8];
	_ =	sdelay $0x3  }
0x33: {  	p0 =	seq.s32 s10, $0x1;
	s10 =	sld [smem:$0x3FBA];
	_ =	sdelay $0x3  }
0x34: {  	[smem:$0x3FBA] =	sst s10  }
0x35: {  	s10 =	sld [smem:$0x3FB9];
	_ =	sdelay $0x3  }
0x36: {  	p1 =	seq.s32 s10, $0x1;
	s10 =	sld [smem:$0x3FBA];
	_ =	sdelay $0x3  }
0x37: {  	[smem:$0x3FBA] =	sst s10  }
0x38: {  	s10 =	sld [smem:$0x3FBB]  }
0x39: {  	_ = 	snop;
	(pc) =	sbr.ind lr, $3  }
0x3a: {  	_ = 	snop  }
0x3b: {  	_ = 	snop  }
0x3c: {  	p2 =	seq.s32 s10, $0x1;
	s10 =	sld [smem:$0x3FBA]  }
0x3d: {  	_ =	shalt  }
0x3e: {  	_ =	shalt  }
0x3f: {  	_ =	shalt  }
0x40: {  	_ =	shalt  }
0x41: {  	_ =	shalt  }
0x42: {  	_ =	shalt  }
0x43: {  	_ =	shalt  }
0x44: {  	_ =	shalt  }
0x45: {  	_ =	shalt  }
0x46: {  	_ =	shalt  }
0x47: {  	_ =	shalt  }
0x48: {  	_ =	shalt  }
0x49: {  	_ =	shalt  }
0x4a: {  	_ =	shalt  }
0x4b: {  	_ =	shalt  }
0x4c: {  	_ =	shalt  }
0x4d: {  	_ =	shalt  }
0x4e: {  	_ =	shalt  }
0x4f: {  	_ =	shalt  }
0x50: {  	_ =	shalt  }
0x51: {  	_ =	shalt  }
0x52: {  	_ =	shalt  }
0x53: {  	_ =	shalt  }
0x54: {  	_ =	shalt  }
0x55: {  	_ =	shalt  }
0x56: {  	_ =	shalt  }
0x57: {  	_ =	shalt  }
0x58: {  	_ =	shalt  }
0x59: {  	_ =	shalt  }
0x5a: {  	_ =	shalt  }
0x5b: {  	_ =	shalt  }
0x5c: {  	_ =	shalt  }
0x5d: {  	_ =	shalt  }
0x5e: {  	_ =	shalt  }
0x5f: {  	_ =	shalt  }
0x60: {  	_ =	shalt  }
0x61: {  	_ =	shalt  }
0x62: {  	_ =	shalt  }
0x63: {  	_ =	shalt  }
0x64: {  	_ =	shalt  }
0x65: {  	_ =	shalt  }
0x66: {  	_ =	shalt  }
0x67: {  	_ =	shalt  }
0x68: {  	_ =	shalt  }
0x69: {  	_ =	shalt  }
0x6a: {  	_ =	shalt  }
0x6b: {  	_ =	shalt  }
0x6c: {  	_ =	shalt  }
0x6d: {  	_ =	shalt  }
0x6e: {  	_ =	shalt  }
0x6f: {  	_ =	shalt  }
0x70: {  	_ =	shalt  }
0x71: {  	_ =	shalt  }
0x72: {  	_ =	shalt  }
0x73: {  	_ =	shalt  }
0x74: {  	_ =	shalt  }
0x75: {  	_ =	shalt  }
0x76: {  	_ =	shalt  }
0x77: {  	_ =	shalt  }
0x78: {  	_ =	shalt  }
0x79: {  	_ =	shalt  }
0x7a: {  	_ =	shalt  }
0x7b: {  	_ =	shalt  }
0x7c: {  	_ =	shalt  }
0x7d: {  	_ =	shalt  }
0x7e: {  	_ =	shalt  }
0x7f: {  	_ =	shalt  }
0x80: {  	_ =	shalt  }
0x81: {  	_ =	shalt  }
0x82: {  	_ =	shalt  }
0x83: {  	_ =	shalt  }
0x84: {  	_ =	shalt  }
0x85: {  	_ =	shalt  }
0x86: {  	_ =	shalt  }
0x87: {  	_ =	shalt  }
.Lfunc_end0:
.L_simem_size_0:
called_computation_lowered:
.L_overlay_start_0:
0x88: {  	s2 =	sld [smem:$0x3FD9]  }
0x89: {  	s3 =	sld [smem:$0x3FFE];
	_ =	sdelay $0x1  }
0x8a: {  	s1 =	srdreg.scid  }
0x8b: {  	s0 =	sand.u32 $0x1, s1  }
0x8c: {  	s14 =	sshll.u32 s0, $0xA;
	s2 =	sadd.s32 s3, s2  }
0x8d: {  	s2 =	sadd.s32 s2, s14  }
0x8e: {  	[smem:$0x3FC6] =	sst s2  }
0x8f: {  	_ = 	snop  }
0x90: {  	s2 =	sld [smem:$0x3FD0];
	_ =	sdelay $0x2  }
0x91: {  	s15 =	simm.s32 $0xA;
	s4 =	simm.s32 $0x10  }
0x92: {  	[smem:s4], [sflag:s15] =	dma.local [hbm:s2], $0x1  }
0x93: {  	_ =	swait.eq [sflag:s15], $0x1  }
0x94: {  	[sflag:s15] =	ssyncset.done $0x0  }
0x95: {  	[sflag:s15] =	ssyncadd.s32 $0xFFFFFFFF  }
0x96: {  	s16 =	sld [smem:$0x11];
	(tm) =	ssettm $0x1  }
0x97: {  	s17 =	sld [smem:$0x3FFB];
	_ =	sdelay $0x3  }
0x98: {  	_ =	strace s17  }
0x99: {  	s3 =	sld [smem:$0x3FFC];
	_ =	sdelay $0x3  }
0x9a: {  	_ =	strace s3  }
0x9b: {  	s3 =	sld [smem:$0x3FFD];
	_ =	sdelay $0x3  }
0x9c: {  	_ =	strace s3  }
0x9d: {  	_ =	strace $0x8FFFFFFF  }
0x9e: {  	s18 =	sld [smem:$0x3FDB];
	_ =	sdelay $0x1  }
0x9f: {  	s19 =	simm.s32 $_scs_section_size  }
0xa0: {  	s5 =	simm.s32 $_size__tile_overlayer_lowered;
	s6 =	simm.s32 $_tile_overlayer_lowered  }
0xa1: {  	s22 =	simm.s32 $0x1BFF;
	s21 =	sshll.u32 s6, $0x1;
	s3 =	sadd.s32 s19, s18  }
0xa2: {  	s7 =	simm.s32 $0x0;
	s20 =	sshll.u32 s5, $0x1;
	s5 =	sadd.s32 s21, s3  }
0xa3: {  	[timem:s7], [sflag:s22] =	dma.local [hbm:s5], s20  }
0xa4: {  	_ =	swait.ge [sflag:s22], s20  }
0xa5: {  	s4 =	ssub.s32 $0x0, s20;
	[sflag:s22] =	ssyncset.done $0x0  }
0xa6: {  	[sflag:s22] =	ssyncadd.s32 s4;
	_ =	sdelay $0x1  }
0xa7: {  	s23 =	simm.s32 $0x1B8B  }
0xa8: {  	_ =	swait.ge [sflag:s23], $0x1  }
0xa9: {  	[sflag:s23] =	ssyncset.done $0x0  }
0xaa: {  	s25 =	simm.s32 $0x1B8E;
	s24 =	sld [smem:$0x3FFE];
	[sflag:s23] =	ssyncadd.s32 $0xFFFFFFFF  }
0xab: {  	s26 =	simm.s32 $execute0_lowered;
	[smem:$0x3FD2] =	sst s25  }
0xac: {  	s5 =	sshll.u32 s26, $0x1;
	_ =	strace $0x80000046;
	[dreg:$0x1] =	wrdreg $0xFFFFFFFF  }
0xad: {  	s28 =	simm.s32 $_size_execute0_lowered;
	s3 =	sadd.s32 s3, s5;
	[dreg:$0x0] =	wrdreg $0x0  }
0xae: {  	s5 =	sshll.u32 s28, $0x1;
	[dreg:$0x2] =	wrdreg s3  }
0xaf: {  	[dreg:$0x3] =	wrdreg s5  }
0xb0: {  	[dreg:$0x4] =	wrdreg $0xC0  }
0xb1: {  	_ =	task [dreg:s7], $0x5FFFF  }
0xb2: {  	[dreg:$0x1] =	wrdreg $0xFFFFFFFF  }
0xb3: {  	[dreg:$0x0] =	wrdreg $0x60  }
0xb4: {  	[dreg:$0x2] =	wrdreg s24  }
0xb5: {  	[dreg:$0x3] =	wrdreg s16  }
0xb6: {  	[dreg:$0x4] =	wrdreg $0x9  }
0xb7: {  	_ =	task.clear_ibuf [dreg:s7], $0x5FFFF;
	_ =	strace $0x90000046  }
0xb8: {  	s29 =	simm.s32 $0x9;
	_ =	strace $0x80000048  }
0xb9: {  	_ =	swait.ge [sflag:s29], $0x1  }
0xba: {  	[sflag:s29] =	ssyncadd.s32 $0xFFFFFFFF  }
0xbb: {  	_ =	strace $0x90000048  }
0xbc: {  	_ =	sfence  }
0xbd: {  	s30 =	sld [smem:$0x0];
	_ =	sdelay $0x2  }
0xbe: {  	s31 =	sshll.u32 s1, $0xD;
	s1 =	sshrl.u32 s1, $0x2  }
0xbf: {  	s3 =	sand.u32 $0x4000, s31;
	s1 =	sadd.s32 s1, s30  }
0xc0: {  	s0 =	sor.u32 s3, s0;
	s1 =	sshll.u32 s1, $0x11  }
0xc1: {  	s0 =	sor.u32 s1, s0  }
0xc2: {  	s0 =	sadd.s32 $0x8F2B, s0  }
0xc3: {  	[sflag:s0] =	ssyncadd.remote.s32 $0x1  }
0xc4: {  	_ =	sfence.sel $0xFFFF  }
0xc5: {  	[dreg:$0x0] =	wrdreg $0xFFFFFFFF;
	(pc) =	sbr.abs _section_cstart, $3  }
0xc6: {  	[dreg:$0x1] =	wrdreg $0xFFFFFFFF  }
0xc7: {  	_ =	task.clear_ibuf [dreg:s7], $0x2FFFF;
	_ =	strace $0x9FFFFFFF  }
0xc8: {  	(tm) =	ssettm $0x7FFFFFFF  }
0xc9: {  	_ =	shalt  }
tec
execute0_lowered:
.L_overlay_start_1:
0x0: {  	(tag) =	ssettag $0x1  }
0x1: {  	s1 =	srdreg.scid;
	s0 =	stileid.u32  }
0x2: {  	s18 =	sand.u32 $0x1, s1;
	s29 =	sshll.u32 s0, $0x1  }
0x3: {  	s30 =	sshrl.u32 s0, $0x2;
	s13 =	sor.u32 s18, s29  }
0x4: {  	s1 =	smul.u32 $0x3800, s30;
	s2 =	sshll.u32 s13, $0x7  }
0x5: {  	s12 =	rddreg [dreg:$0x0];
	s3 =	sand.u32 $0x380, s2  }
0x6: {  	s5 =	simm.s32 $0x80;
	s7 =	simm.s32 $0x400;
	s4 =	sor.u32 s1, s3  }
0x7: {  	s2 =	rddreg [dreg:$0x1];
	s3 =	simm.s32 $0x0;
	s4 =	sshrl.u32 s4, $0x3  }
0x8: {  	s6 =	simm.s32 $0x3;
	[smem:$0x7FF] =	sst s3;
	s4 =	sadd.s32 s4, s12  }
0x9: {  	s1 =	rddreg [dreg:$0x2];
	_ =	strace $0x80000047;
	s4 =	sadd.s32 $0x1600, s4  }
0xa: {  	[tilespmem:s3], [sflag:$0x3] =	stream.strided.gather [hbm4b:s4+s5], $0x700, s7, s5, $0x38;
	[tilespmem:$0x1B700] =	vst v63  }
0xb: {  	_ =	swait.ge [sflag:s6], $0x700  }
0xc: {  	[sflag:s6] =	ssyncset.done $0x0  }
0xd: {  	s8 =	simm.s32 $0x1B0;
	s9 =	simm.s32 $0x700;
	[sflag:s6] =	ssyncadd.s32 $0xFFFFF900  }
0xe: {  	[tilespmem:s9], [sflag:$0x1] =	stream.indirect.gather [hbm4b:s2+s8], $0x80, s3, s8, $0xb8;
	[tilespmem:$0x1B700] =	vst v63  }
0xf: {  	s10 =	simm.s32 $0xDF00;
	s11 =	simm.s32 $0x1  }
0x10: {  	[tilespmem:s10], [sflag:$0x2] =	stream.indirect.gather [hbm4b:s2+s8], $0x80, s8, s8, $0xb8;
	[tilespmem:$0x1B700] =	vst v63  }
0x11: {  	s14 =	smul.u32 $0x6C00, s13;
	_ =	swait.ge [sflag:s11], $0xD800  }
0x12: {  	s15 =	sadd.s32 $0x1B1600, s12;
	[sflag:s11] =	ssyncset.done $0x0  }
0x13: {  	s12 =	sadd.s32 s15, s14;
	[sflag:s11] =	ssyncadd.s32 $0xFFFF2800  }
0x14: {  	[hbm4b:s12+s3] =	stream.linear.scatter [tilespmem:s9], [sflag:$0x3], $0xD800, $0x38;
	[tilespmem:$0x1B700] =	vst v63  }
0x15: {  	_ =	swait.ge [sflag:s6], $0xD800  }
0x16: {  	s16 =	smul.u32 $0x36000, s13;
	[sflag:s6] =	ssyncset.done $0x0  }
0x17: {  	s13 =	simm.s32 $0x360;
	s14 =	simm.s32 $0x2;
	[sflag:s6] =	ssyncadd.s32 $0xFFFF2800  }
0x18: {  	[tilespmem:s9], [sflag:$0x1] =	stream.indirect.gather [hbm4b:s2+s8], $0x80, s13, s8, $0xb8;
	[tilespmem:$0x1B700] =	vst v63  }
0x19: {  	s16 =	sshrl.u32 s16, $0x3;
	_ =	swait.ge [sflag:s14], $0xD800  }
0x1a: {  	s19 =	sadd.s32 s15, s16;
	[sflag:s14] =	ssyncset.done $0x0  }
0x1b: {  	s15 =	sadd.s32 $0x1B00, s19;
	[sflag:s14] =	ssyncadd.s32 $0xFFFF2800  }
0x1c: {  	[hbm4b:s15+s3] =	stream.linear.scatter [tilespmem:s10], [sflag:$0x3], $0xD800, $0x38;
	[tilespmem:$0x1B700] =	vst v63  }
0x1d: {  	_ =	swait.ge [sflag:s6], $0xD800  }
0x1e: {  	[sflag:s6] =	ssyncset.done $0x0  }
0x1f: {  	s16 =	simm.s32 $0x510;
	[sflag:s6] =	ssyncadd.s32 $0xFFFF2800  }
0x20: {  	[tilespmem:s10], [sflag:$0x2] =	stream.indirect.gather [hbm4b:s2+s8], $0x80, s16, s8, $0xb8;
	[tilespmem:$0x1B700] =	vst v63  }
0x21: {  	_ =	swait.ge [sflag:s11], $0xD800  }
0x22: {  	[sflag:s11] =	ssyncset.done $0x0  }
0x23: {  	s18 =	ssub.s32 $0x2, s18;
	s17 =	sadd.s32 $0x3600, s19;
	[sflag:s11] =	ssyncadd.s32 $0xFFFF2800  }
0x24: {  	[hbm4b:s17+s3] =	stream.linear.scatter [tilespmem:s9], [sflag:$0x3], $0xD800, $0x38;
	[tilespmem:$0x1B700] =	vst v63  }
0x25: {  	s20 =	sshrl.u32 s18, $0x1;
	_ =	swait.ge [sflag:s6], $0xD800  }
0x26: {  	s20 =	ssub.s32 s18, s20;
	[sflag:s6] =	ssyncset.done $0x0  }
0x27: {  	s31 =	smax.u32 s20, $0x1;
	[sflag:s6] =	ssyncadd.s32 $0xFFFF2800  }
0x28: {  	p0 =	sne.s32 s31, $0x1;
	_ =	swait.ge [sflag:s14], $0xD800  }
.Ltmp0:
0x29: {  	[sflag:s14] =	ssyncset.done $0x0;
	(pc) =	sbr.rel @!p0 .LBB2_2-.Ltmp0, $4  }
0x2a: {  	s18 =	sadd.s32 $0x5100, s19;
	[sflag:s14] =	ssyncadd.s32 $0xFFFF2800  }
0x2b: {  	[hbm4b:s18+s3] =	stream.linear.scatter [tilespmem:s10], [sflag:$0x3], $0xD800, $0x38;
	[tilespmem:$0x1B700] =	vst v63  }
0x2c: {  	_ =	swait.ge [sflag:s6], $0xD800  }
0x2d: {  	s19 =	sadd.s32 $0xFFFFFFFF, s31;
	[sflag:s6] =	ssyncset.done $0x0  }
.LBB2_1:
0x2e: {  	p0 =	sne.s32 s19, $0x1;
	s19 =	sadd.s32 $0xFFFFFFFF, s19;
	[sflag:s6] =	ssyncadd.s32 $0xFFFF2800  }
0x2f: {  	[tilespmem:s3], [sflag:$0x3] =	stream.strided.gather [hbm4b:s4+s5], $0x700, s7, s5, $0x38;
	[tilespmem:$0x1B700] =	vst v63  }
0x30: {  	_ =	swait.ge [sflag:s6], $0x700  }
0x31: {  	[sflag:s6] =	ssyncset.done $0x0  }
0x32: {  	[sflag:s6] =	ssyncadd.s32 $0xFFFFF900  }
0x33: {  	[tilespmem:s9], [sflag:$0x1] =	stream.indirect.gather [hbm4b:s2+s8], $0x80, s3, s8, $0xb8;
	[tilespmem:$0x1B700] =	vst v63  }
0x34: {  	_ = 	snop  }
0x35: {  	[tilespmem:s10], [sflag:$0x2] =	stream.indirect.gather [hbm4b:s2+s8], $0x80, s8, s8, $0xb8;
	[tilespmem:$0x1B700] =	vst v63  }
0x36: {  	_ =	swait.ge [sflag:s11], $0xD800  }
0x37: {  	[sflag:s11] =	ssyncset.done $0x0  }
0x38: {  	[sflag:s11] =	ssyncadd.s32 $0xFFFF2800  }
0x39: {  	[hbm4b:s12+s3] =	stream.linear.scatter [tilespmem:s9], [sflag:$0x3], $0xD800, $0x38;
	[tilespmem:$0x1B700] =	vst v63  }
0x3a: {  	_ =	swait.ge [sflag:s6], $0xD800  }
0x3b: {  	[sflag:s6] =	ssyncset.done $0x0  }
0x3c: {  	[sflag:s6] =	ssyncadd.s32 $0xFFFF2800  }
0x3d: {  	[tilespmem:s9], [sflag:$0x1] =	stream.indirect.gather [hbm4b:s2+s8], $0x80, s13, s8, $0xb8;
	[tilespmem:$0x1B700] =	vst v63  }
0x3e: {  	_ =	swait.ge [sflag:s14], $0xD800  }
0x3f: {  	[sflag:s14] =	ssyncset.done $0x0  }
0x40: {  	[sflag:s14] =	ssyncadd.s32 $0xFFFF2800  }
0x41: {  	[hbm4b:s15+s3] =	stream.linear.scatter [tilespmem:s10], [sflag:$0x3], $0xD800, $0x38;
	[tilespmem:$0x1B700] =	vst v63  }
0x42: {  	_ =	swait.ge [sflag:s6], $0xD800  }
0x43: {  	[sflag:s6] =	ssyncset.done $0x0  }
0x44: {  	[sflag:s6] =	ssyncadd.s32 $0xFFFF2800  }
0x45: {  	[tilespmem:s10], [sflag:$0x2] =	stream.indirect.gather [hbm4b:s2+s8], $0x80, s16, s8, $0xb8;
	[tilespmem:$0x1B700] =	vst v63  }
0x46: {  	_ =	swait.ge [sflag:s11], $0xD800  }
0x47: {  	[sflag:s11] =	ssyncset.done $0x0  }
0x48: {  	[sflag:s11] =	ssyncadd.s32 $0xFFFF2800  }
0x49: {  	[hbm4b:s17+s3] =	stream.linear.scatter [tilespmem:s9], [sflag:$0x3], $0xD800, $0x38;
	[tilespmem:$0x1B700] =	vst v63  }
0x4a: {  	_ =	swait.ge [sflag:s6], $0xD800  }
0x4b: {  	[sflag:s6] =	ssyncset.done $0x0  }
0x4c: {  	[sflag:s6] =	ssyncadd.s32 $0xFFFF2800  }
0x4d: {  	_ =	swait.ge [sflag:s14], $0xD800  }
.Ltmp1:
0x4e: {  	[sflag:s14] =	ssyncset.done $0x0;
	(pc) =	sbr.rel @p0 .LBB2_1-.Ltmp1, $4  }
0x4f: {  	[sflag:s14] =	ssyncadd.s32 $0xFFFF2800  }
0x50: {  	[hbm4b:s18+s3] =	stream.linear.scatter [tilespmem:s10], [sflag:$0x3], $0xD800, $0x38;
	[tilespmem:$0x1B700] =	vst v63  }
0x51: {  	_ =	swait.ge [sflag:s6], $0xD800  }
0x52: {  	[sflag:s6] =	ssyncset.done $0x0  }
.LBB2_2:
0x53: {  	[sflag:s6] =	ssyncadd.s32 $0xFFFF2800  }
0x54: {  	_ =	sfence.sel $0x180000  }
0x55: {  	[bflag:$0x0] =	sbarrier.arrive $0xFFFF  }
0x56: {  	p0 =	sne.s32 s0, $0x0;
	_ =	strace $0x90000047  }
0x57: {  	s0 =	sadd.s32 @!p0 $0x100000, s1;
	[bflag:$0x2] =	sbarrier.arrive $0xFFFF  }
0x58: {  	[sflag:s0] =	ssyncadd.tile.s32 @!p0 $0x1;
	_ =	shalt  }
.Lfunc_end2:
_tile_overlayer_lowered:
.L_overlay_start_2:
0x59: {  	(tag) =	ssettag $0x2  }
0x5a: {  	s0 =	rddreg [dreg:$0x0];
	s2 =	stileid.u32  }
0x5b: {  	s1 =	rddreg [dreg:$0x1];
	p0 =	sne.s32 s2, $0x0  }
0x5c: {  	s3 =	rddreg [dreg:$0x2];
	[bflag:$0x3] =	sbarrier.arrive $0xFFFF;
	s2 =	simm.s32 @!p0 $0x1C03  }
0x5d: {  	[timem:s3], [sflag:s2] =	dma.local @!p0 [hbm:s0], s1  }
0x5e: {  	s0 =	simm.s32 @!p0 $0x3  }
0x5f: {  	_ =	swait.ge @!p0 [sflag:s0], s1  }
0x60: {  	s1 =	ssub.s32 @!p0 $0x0, s1;
	[sflag:s0] =	ssyncset.done @!p0 $0x0  }
0x61: {  	[sflag:s0] =	ssyncadd.s32 @!p0 s1  }
0x62: {  	[bflag:$0x3] =	sbarrier.arrive $0xFFFF  }
0x63: {  	_ =	shalt  }

</sc_bundles>
